<compile_context>
chip_gen: v7x
topology: tpu7x:2x2x1
jax: 0.10.2.dev20260603
libtpu: 0.0.44.dev20260713+nightly
codegen_flags: <defaults>
</compile_context>

<pallas_src>
import functools

import jax
import jax.numpy as jnp
from jax import lax
from jax.experimental import pallas as pl
from jax.experimental.pallas import tpu as pltpu
from jax.experimental.pallas import tpu_sc as plsc

N_ENT = 1024
N_REL = 2048
N_OBJ = 151
N_PRED = 51
SEG = 64
E = 512
HIST_ROWS = 160
HIST_LANES = 128
ENT_PER_SUBCORE = N_ENT // 16



def _sc_hist_body(ent_hbm, zeros_hbm, ones_hbm, cnt_hbm, idx_v, ones_v, S_sh):
    cid = lax.axis_index("c")
    sid = lax.axis_index("s")

    @pl.when(jnp.logical_and(cid == 0, sid == 0))
    def _zero_shared():
        pltpu.sync_copy(zeros_hbm, S_sh)

    plsc.subcore_barrier()

    @pl.when(cid == 0)
    def _scatter():
        pltpu.sync_copy(ones_hbm, ones_v)
        pltpu.sync_copy(ent_hbm.at[pl.ds(sid * ENT_PER_SUBCORE,
                                         ENT_PER_SUBCORE)], idx_v)
        pltpu.sync_copy(ones_v, S_sh.at[idx_v], add=True)

    plsc.subcore_barrier()

    @pl.when(jnp.logical_and(cid == 0, sid == 0))
    def _publish():
        pltpu.sync_copy(S_sh, cnt_hbm)


_sc_hist = functools.partial(
    pl.kernel,
    _sc_hist_body,
    out_type=jax.ShapeDtypeStruct((HIST_ROWS, HIST_LANES), jnp.float32),
    mesh=plsc.VectorSubcoreMesh(core_axis_name="c", subcore_axis_name="s",
                                num_cores=1),
    scratch_types=[
        pltpu.VMEM((ENT_PER_SUBCORE,), jnp.int32),
        pltpu.VMEM((ENT_PER_SUBCORE, HIST_LANES), jnp.float32),
        pltpu.VMEM_SHARED((HIST_ROWS, HIST_LANES), jnp.float32),
    ],
)()



def _dot(a, b, dims, prec=lax.Precision.HIGHEST):
    return lax.dot_general(a, b, (dims, ((), ())), precision=prec,
                           preferred_element_type=jnp.float32)


def _dot_d(a, b, dims):
    return _dot(a, b, dims, prec=lax.Precision.DEFAULT)


def _bf16(x):
    return x.astype(jnp.bfloat16).astype(jnp.float32)


def _tc1_body(rel_rows_ref, tobj_ref, th51_ref, tt51_ref, tp_ref,
              vW0_ref, vb0_ref, vW1_ref, vb1_ref, qW0_ref, qb0_ref,
              sb_ref, bt_ref, q0_ref):
    f32 = jnp.float32
    bf16 = jnp.bfloat16
    tobj16 = tobj_ref[...].astype(bf16)
    tp16 = tp_ref[...].astype(bf16)
    th16 = th51_ref[...].astype(bf16)
    tt16 = tt51_ref[...].astype(bf16)

    BT = _bf16(_dot_d(tp16, tobj16, ((1,), (1,))))
    bt_ref[...] = BT

    relh = rel_rows_ref[0:1, :]
    relt = rel_rows_ref[1:2, :]
    relp = rel_rows_ref[2:3, :]
    io3 = lax.broadcasted_iota(jnp.int32, (3 * SEG, N_REL), 0)
    oh_all = ((io3 == relh)
              | ((io3 - SEG) == relt)
              | ((io3 - 2 * SEG) == relp)).astype(bf16)
    iop = lax.broadcasted_iota(jnp.int32, (SEG, N_REL), 0)
    oh_p = (iop == relp).astype(bf16)

    pad = jnp.zeros((SEG - N_PRED, E), f32)
    vtabs = []
    for (vW, vb) in ((vW0_ref[...], vb0_ref[...]),
                     (vW1_ref[...], vb1_ref[...])):
        VH = _dot_d(th16, vW[:, 0:E], ((1,), (1,)))
        VT = _dot_d(tt16, vW[:, E:2 * E], ((1,), (1,)))
        VP = _dot_d(tp16, vW[:, 2 * E:3 * E], ((1,), (1,))) + vb
        vtabs.append(jnp.concatenate(
            [VH, pad, VT, pad, VP, pad], axis=0))
    vtab = jnp.concatenate(vtabs, axis=1)
    vhi = vtab.astype(bf16)
    vmid = (vtab - vhi.astype(f32)).astype(bf16)

    g_pre = (_dot_d(oh_all, vhi, ((0,), (0,)))
             + _dot_d(oh_all, vmid, ((0,), (0,))))
    v16 = jax.nn.relu(g_pre).astype(bf16)
    sb_ref[...] = _dot_d(oh_p, v16, ((1,), (0,)))

    q0_ref[...] = jax.nn.relu(_dot_d(tobj16, qW0_ref[...], ((1,), (1,)))
                              + qb0_ref[...])


def _tc2_body(cnt16_ref, sb_ref, bt_ref, q0_ref, tobj_ref,
              qW1_ref, qb1_ref, aW0_ref, ab0_ref, aW1_ref, ab1_ref,
              fc1W_ref, fc1b_ref, fc2W_ref, fc2b_ref, out_ref):
    bf16 = jnp.bfloat16
    tobj = tobj_ref[...]
    BT = bt_ref[...]
    Sb = sb_ref[...]

    cnt = cnt16_ref[0:N_OBJ, 0:1]
    obj_sum = _dot(cnt, tobj, ((0,), (0,)))

    U0 = _dot(BT, cnt * q0_ref[...], ((1,), (0,)))
    h0 = jnp.sum(Sb[0:N_PRED, 0:E] * U0, axis=0, keepdims=True)
    s_total = _dot_d(h0, aW0_ref[...], ((1,), (1,))) + ab0_ref[...]

    q_cls = (tobj + s_total).astype(bf16)
    Q1 = jax.nn.relu(_dot_d(q_cls, qW1_ref[...], ((1,), (1,))) + qb1_ref[...])
    U1 = _dot(BT, cnt * Q1, ((1,), (0,)))
    h1 = jnp.sum(Sb[0:N_PRED, E:2 * E] * U1, axis=0, keepdims=True)
    s_total = s_total + _dot_d(h1, aW1_ref[...], ((1,), (1,))) + ab1_ref[...]

    q_sum = obj_sum + float(N_ENT) * s_total
    o1 = jax.nn.relu(_dot_d(q_sum, fc1W_ref[...], ((1,), (1,))) + fc1b_ref[...])
    out_ref[...] = jax.nn.relu(_dot_d(o1, fc2W_ref[...], ((1,), (1,))) + fc2b_ref[...])


def kernel(entities, relations, img_obj_embed, img_rel_head_embed,
           img_rel_tail_embed, img_rel_pred_embed,
           g0_vW, g0_vb, g0_qW, g0_qb, g0_aW, g0_ab,
           g1_vW, g1_vb, g1_qW, g1_qb, g1_aW, g1_ab,
           fc1_W, fc1_b, fc2_W, fc2_b):
    f32 = jnp.float32
    rel_rows = relations.astype(jnp.int32).T
    row = lambda x: x.reshape(1, -1)

    cnt16 = _sc_hist(entities.astype(jnp.int32),
                     jnp.zeros((HIST_ROWS, HIST_LANES), f32),
                     jnp.ones((ENT_PER_SUBCORE, HIST_LANES), f32))

    Sb, BT, Q0 = pl.pallas_call(
        _tc1_body,
        out_shape=[jax.ShapeDtypeStruct((SEG, 2 * E), f32),
                   jax.ShapeDtypeStruct((N_PRED, N_OBJ), f32),
                   jax.ShapeDtypeStruct((N_OBJ, E), f32)],
    )(rel_rows,
      img_obj_embed, img_rel_head_embed[:N_PRED], img_rel_tail_embed[:N_PRED],
      img_rel_pred_embed,
      g0_vW, row(g0_vb), g1_vW, row(g1_vb), g0_qW, row(g0_qb))

    return pl.pallas_call(
        _tc2_body,
        out_shape=jax.ShapeDtypeStruct((1, 1024), f32),
    )(cnt16, Sb, BT, Q0, img_obj_embed,
      g1_qW, row(g1_qb), g0_aW, row(g0_ab), g1_aW, row(g1_ab),
      fc1_W, row(fc1_b), fc2_W, row(fc2_b))

# --- scband reference (transcript-rebuilt; emitter-appended) ---
"""Pipeline reference for scband-sgencode-43817256354470 (READ-ONLY COPY).

The authoritative reference and input builder live on the scoring server;
editing this copy changes nothing except your own understanding.
"""

import jax, jax.numpy as jnp
import numpy as np

EMBED = 512
HID = 512
FINAL = 1024
N_ENT = 1024
N_REL = 2048
IMG_NUM_OBJ = 151
IMG_NUM_REL = 51


def _l2norm(w):
    n = jnp.sqrt(jnp.sum(w * w, axis=1, keepdims=True))
    return w / n


def setup_inputs(seed: int = 0):
    key = jax.random.key(seed)
    ks = jax.random.split(key, 20)
    inp = {}
    inp["entities"] = jax.random.randint(ks[0], (N_ENT,), 0, IMG_NUM_OBJ)
    inp["relations"] = jax.random.randint(ks[1], (N_REL, 3), 0, IMG_NUM_REL)
    inp["img_obj_embed"] = _l2norm(jax.random.normal(ks[2], (IMG_NUM_OBJ, EMBED), dtype=jnp.float32))
    inp["img_rel_head_embed"] = _l2norm(jax.random.normal(ks[3], (IMG_NUM_OBJ, EMBED), dtype=jnp.float32))
    inp["img_rel_tail_embed"] = _l2norm(jax.random.normal(ks[4], (IMG_NUM_OBJ, EMBED), dtype=jnp.float32))
    inp["img_rel_pred_embed"] = _l2norm(jax.random.normal(ks[5], (IMG_NUM_REL, EMBED), dtype=jnp.float32))
    i = 6
    for g in range(2):
        inp["g%d_vW" % g] = jax.random.normal(ks[i], (HID, EMBED * 3), dtype=jnp.float32) * 0.02; i += 1
        inp["g%d_vb" % g] = jnp.zeros((HID,), dtype=jnp.float32)
        inp["g%d_qW" % g] = jax.random.normal(ks[i], (HID, EMBED), dtype=jnp.float32) * 0.02; i += 1
        inp["g%d_qb" % g] = jnp.zeros((HID,), dtype=jnp.float32)
        inp["g%d_aW" % g] = jax.random.normal(ks[i], (HID, HID), dtype=jnp.float32) * 0.02; i += 1
        inp["g%d_ab" % g] = jnp.zeros((HID,), dtype=jnp.float32)
    inp["fc1_W"] = jax.random.normal(ks[i], (HID, HID), dtype=jnp.float32) * 0.02; i += 1
    inp["fc1_b"] = jnp.zeros((HID,), dtype=jnp.float32)
    inp["fc2_W"] = jax.random.normal(ks[i], (FINAL, HID), dtype=jnp.float32) * 0.02; i += 1
    inp["fc2_b"] = jnp.zeros((FINAL,), dtype=jnp.float32)
    return inp


def reference(entities, relations, img_obj_embed, img_rel_head_embed, img_rel_tail_embed, img_rel_pred_embed, g0_vW, g0_vb, g0_qW, g0_qb, g0_aW, g0_ab, g1_vW, g1_vb, g1_qW, g1_qb, g1_aW, g1_ab, fc1_W, fc1_b, fc2_W, fc2_b):
    # encode() on the image branch (is_img=True)
    obj_encode = jnp.take(img_obj_embed, entities, axis=0)                 # [N, 512]
    rel_head = jnp.take(img_rel_head_embed, relations[:, 0], axis=0)      # [R, 512]
    rel_tail = jnp.take(img_rel_tail_embed, relations[:, 1], axis=0)      # [R, 512]
    rel_pred = jnp.take(img_rel_pred_embed, relations[:, 2], axis=0)      # [R, 512]
    rel_encode = jnp.concatenate([rel_head, rel_tail, rel_pred], axis=-1) # [R, 1536]
    # attention map: v_num (relations) x q_num (objects)
    atten = rel_pred @ obj_encode.T                                        # [R, N]
    q = obj_encode                                                         # [N, 512] (batch dim 1 implicit)
    glimpses = [(g0_vW, g0_vb, g0_qW, g0_qb, g0_aW, g0_ab), (g1_vW, g1_vb, g1_qW, g1_qb, g1_aW, g1_ab)]
    for (vW, vb, qW, qb, aW, ab) in glimpses:
        v_lin = jax.nn.relu(rel_encode @ vW.T + vb)   # [R, 512]
        q_lin = jax.nn.relu(q @ qW.T + qb)            # [N, 512]
        # matmul(v_[1,512,1,R], atten[1,R,N]) -> [1,512,1,N]; equivalent: v_lin.T @ atten
        A = v_lin.T @ atten                            # [512, N]
        # matmul([1,512,1,N], q_[1,512,N,1]) -> [1,512,1,1]; equivalent contraction over N
        h = jnp.sum(A * q_lin.T, axis=1)[None, :]     # [1, 512]
        atten_h = h @ aW.T + ab                        # [1, 512] (lin_atten, no activation)
        q = q + atten_h                                # broadcast add over all que positions
    q_sum = jnp.sum(q, axis=0, keepdims=True)          # q_.sum(1) -> [1, 512]
    out = jax.nn.relu(q_sum @ fc1_W.T + fc1_b)
    out = jax.nn.relu(out @ fc2_W.T + fc2_b)           # [1, 1024]
    return jnp.sum(out, axis=0).reshape(1, -1)         # .sum(0).view(1,-1)

if __name__ == "__main__":
    import jax
    _d = setup_inputs()
    print(jax.jit(kernel)(*tuple(_d.values())))

</pallas_src>

<mosaic_0001>
#map = affine_map<(d0, d1) -> (0)>
#map1 = affine_map<(d0, d1) -> (0, 0)>
module attributes {stable_mosaic.version = 14 : i64} {
  func.func @_sc_hist_body(%arg0: i32, %arg1: i32, %arg2: memref<1024xi32, #tpu.memory_space<hbm>>, %arg3: memref<160x128xf32, #tpu.memory_space<hbm>>, %arg4: memref<64x128xf32, #tpu.memory_space<hbm>>, %arg5: memref<160x128xf32, #tpu.memory_space<hbm>>, %arg6: memref<64xi32, #tpu.memory_space<vmem>>, %arg7: memref<64x128xf32, #tpu.memory_space<vmem>>, %arg8: memref<160x128xf32, #tpu.memory_space<vmem_shared>>) attributes {dimension_semantics = [#tpu.dimension_semantics<core_parallel>, #tpu.dimension_semantics<subcore_parallel>], iteration_bounds = array<i64: 1, 16>, scalar_prefetch = 0 : i64, scratch_operands = 3 : i64, tpu.core_type = #tpu.core_type<sc_vector_subcore>, window_params = [{transform_indices = #map}, {transform_indices = #map1}, {transform_indices = #map1}, {transform_indices = #map1}]} {
    %eq3A = arith.constant 0 : i32
    %eq3A_0 = arith.cmpi eq, %arg0, %eq3A : i32
    %eq3A_1 = arith.constant 0 : i32
    %eq3A_2 = arith.cmpi eq, %arg1, %eq3A_1 : i32
    %and3A = arith.andi %eq3A_0, %eq3A_2 : i1
    %convert_element_type3A = arith.extui %and3A : i1 to i32
    %cond3A = arith.constant 0 : i32
    %cond3A_3 = arith.cmpi ne, %convert_element_type3A, %cond3A : i32
    scf.if %cond3A_3 {
      "tpu.region"() ({
        %run_scoped3A = tpu.sem_alloc : memref<!tpu.dma_semaphore, #tpu.memory_space<semaphore_mem>>
        tpu.enqueue_dma source(%arg3 : memref<160x128xf32, #tpu.memory_space<hbm>>) target(%arg8 : memref<160x128xf32, #tpu.memory_space<vmem_shared>>) target_semaphore(%run_scoped3A : memref<!tpu.dma_semaphore, #tpu.memory_space<semaphore_mem>>)
        tpu.wait_dma2 semaphore(%run_scoped3A : memref<!tpu.dma_semaphore, #tpu.memory_space<semaphore_mem>>) src(%arg3 : memref<160x128xf32, #tpu.memory_space<hbm>>) dst(%arg8 : memref<160x128xf32, #tpu.memory_space<vmem_shared>>)
        tpu.yield
      }) : () -> ()
    } else {
    }
    %barrier3A = arith.constant 0 : index
    tpu.barrier barrier_id(%barrier3A)
    %eq3A_4 = arith.constant 0 : i32
    %eq3A_5 = arith.cmpi eq, %arg0, %eq3A_4 : i32
    %convert_element_type3A_6 = arith.extui %eq3A_5 : i1 to i32
    %cond3A_7 = arith.constant 0 : i32
    %cond3A_8 = arith.cmpi ne, %convert_element_type3A_6, %cond3A_7 : i32
    scf.if %cond3A_8 {
      "tpu.region"() ({
        %run_scoped3A = tpu.sem_alloc : memref<!tpu.dma_semaphore, #tpu.memory_space<semaphore_mem>>
        tpu.enqueue_dma source(%arg4 : memref<64x128xf32, #tpu.memory_space<hbm>>) target(%arg7 : memref<64x128xf32, #tpu.memory_space<vmem>>) target_semaphore(%run_scoped3A : memref<!tpu.dma_semaphore, #tpu.memory_space<semaphore_mem>>)
        tpu.wait_dma2 semaphore(%run_scoped3A : memref<!tpu.dma_semaphore, #tpu.memory_space<semaphore_mem>>) src(%arg4 : memref<64x128xf32, #tpu.memory_space<hbm>>) dst(%arg7 : memref<64x128xf32, #tpu.memory_space<vmem>>)
        tpu.yield
      }) : () -> ()
      %mul3A = arith.constant 64 : i32
      %mul3A_18 = arith.muli %arg1, %mul3A : i32
      "tpu.region"() ({
        %run_scoped3A = tpu.sem_alloc : memref<!tpu.dma_semaphore, #tpu.memory_space<semaphore_mem>>
        %dma_start3A = tpu.memref_slice %arg2[%mul3A_18] : memref<1024xi32, #tpu.memory_space<hbm>> -> memref<64xi32, #tpu.memory_space<hbm>>
        %dma_start3A_19 = tpu.memref_slice %arg2[%mul3A_18] : memref<1024xi32, #tpu.memory_space<hbm>> -> memref<64xi32, #tpu.memory_space<hbm>>
        tpu.enqueue_dma source(%dma_start3A_19 : memref<64xi32, #tpu.memory_space<hbm>>) target(%arg6 : memref<64xi32, #tpu.memory_space<vmem>>) target_semaphore(%run_scoped3A : memref<!tpu.dma_semaphore, #tpu.memory_space<semaphore_mem>>)
        %dma_wait3A = tpu.memref_slice %arg2[%mul3A_18] : memref<1024xi32, #tpu.memory_space<hbm>> -> memref<64xi32, #tpu.memory_space<hbm>>
        %dma_wait3A_20 = tpu.memref_slice %arg2[%mul3A_18] : memref<1024xi32, #tpu.memory_space<hbm>> -> memref<64xi32, #tpu.memory_space<hbm>>
        tpu.wait_dma2 semaphore(%run_scoped3A : memref<!tpu.dma_semaphore, #tpu.memory_space<semaphore_mem>>) src(%dma_wait3A_20 : memref<64xi32, #tpu.memory_space<hbm>>) dst(%arg6 : memref<64xi32, #tpu.memory_space<vmem>>)
        tpu.yield
      }) : () -> ()
      "tpu.region"() ({
        %run_scoped3A = tpu.sem_alloc : memref<!tpu.dma_semaphore, #tpu.memory_space<semaphore_mem>>
        %dma_start3A = arith.constant 0 : i32
        %dma_start3A_19 = arith.constant 0 : i32
        %dma_start3A_20 = tpu.memref_slice %arg8[%dma_start3A, %dma_start3A_19] : memref<160x128xf32, #tpu.memory_space<vmem_shared>> -> memref<160x128xf32, #tpu.memory_space<vmem_shared>>
        tpu.enqueue_indirect_dma source(%arg7 : memref<64x128xf32, #tpu.memory_space<vmem>>) target(%dma_start3A_20 : memref<160x128xf32, #tpu.memory_space<vmem_shared>>) offsets(%arg6 : memref<64xi32, #tpu.memory_space<vmem>>) semaphore(%run_scoped3A : memref<!tpu.dma_semaphore, #tpu.memory_space<semaphore_mem>>) {add = true}
        %dma_wait3A = arith.constant 0 : i32
        %dma_wait3A_21 = arith.constant 0 : i32
        %dma_wait3A_22 = tpu.memref_slice %arg8[%dma_wait3A, %dma_wait3A_21] : memref<160x128xf32, #tpu.memory_space<vmem_shared>> -> memref<160x128xf32, #tpu.memory_space<vmem_shared>>
        tpu.wait_indirect_dma semaphore(%run_scoped3A : memref<!tpu.dma_semaphore, #tpu.memory_space<semaphore_mem>>) src(%arg7 : memref<64x128xf32, #tpu.memory_space<vmem>>) dst(%dma_wait3A_22 : memref<160x128xf32, #tpu.memory_space<vmem_shared>>)
        tpu.yield
      }) : () -> ()
    } else {
    }
    %barrier3A_9 = arith.constant 0 : index
    tpu.barrier barrier_id(%barrier3A_9)
    %eq3A_10 = arith.constant 0 : i32
    %eq3A_11 = arith.cmpi eq, %arg0, %eq3A_10 : i32
    %eq3A_12 = arith.constant 0 : i32
    %eq3A_13 = arith.cmpi eq, %arg1, %eq3A_12 : i32
    %and3A_14 = arith.andi %eq3A_11, %eq3A_13 : i1
    %convert_element_type3A_15 = arith.extui %and3A_14 : i1 to i32
    %cond3A_16 = arith.constant 0 : i32
    %cond3A_17 = arith.cmpi ne, %convert_element_type3A_15, %cond3A_16 : i32
    scf.if %cond3A_17 {
      "tpu.region"() ({
        %run_scoped3A = tpu.sem_alloc : memref<!tpu.dma_semaphore, #tpu.memory_space<semaphore_mem>>
        tpu.enqueue_dma source(%arg8 : memref<160x128xf32, #tpu.memory_space<vmem_shared>>) target(%arg5 : memref<160x128xf32, #tpu.memory_space<hbm>>) target_semaphore(%run_scoped3A : memref<!tpu.dma_semaphore, #tpu.memory_space<semaphore_mem>>)
        tpu.wait_dma2 semaphore(%run_scoped3A : memref<!tpu.dma_semaphore, #tpu.memory_space<semaphore_mem>>) src(%arg8 : memref<160x128xf32, #tpu.memory_space<vmem_shared>>) dst(%arg5 : memref<160x128xf32, #tpu.memory_space<hbm>>)
        tpu.yield
      }) : () -> ()
    } else {
    }
    return
  }
}

module attributes {stable_mosaic.version = 14 : i64} {
  func.func @_tc2_body(%arg0: memref<160x128xf32, #tpu.memory_space<vmem>>, %arg1: memref<64x1024xf32, #tpu.memory_space<vmem>>, %arg2: memref<51x151xf32, #tpu.memory_space<vmem>>, %arg3: memref<151x512xf32, #tpu.memory_space<vmem>>, %arg4: memref<151x512xf32, #tpu.memory_space<vmem>>, %arg5: memref<512x512xf32, #tpu.memory_space<vmem>>, %arg6: memref<1x512xf32, #tpu.memory_space<vmem>>, %arg7: memref<512x512xf32, #tpu.memory_space<vmem>>, %arg8: memref<1x512xf32, #tpu.memory_space<vmem>>, %arg9: memref<512x512xf32, #tpu.memory_space<vmem>>, %arg10: memref<1x512xf32, #tpu.memory_space<vmem>>, %arg11: memref<512x512xf32, #tpu.memory_space<vmem>>, %arg12: memref<1x512xf32, #tpu.memory_space<vmem>>, %arg13: memref<1024x512xf32, #tpu.memory_space<vmem>>, %arg14: memref<1x1024xf32, #tpu.memory_space<vmem>>, %arg15: memref<1x1024xf32, #tpu.memory_space<vmem>>) attributes {dimension_semantics = [], scalar_prefetch = 0 : i64, scratch_operands = 0 : i64, tpu.core_type = #tpu.core_type<tc>} {
    %get3A = arith.constant 0 : index
    %get3A_0 = arith.constant 0 : index
    %get3A_1 = vector.load %arg4[%get3A, %get3A_0] : memref<151x512xf32, #tpu.memory_space<vmem>>, vector<151x512xf32>
    %get3A_2 = arith.constant 0 : index
    %get3A_3 = arith.constant 0 : index
    %get3A_4 = vector.load %arg2[%get3A_2, %get3A_3] : memref<51x151xf32, #tpu.memory_space<vmem>>, vector<51x151xf32>
    %get3A_5 = arith.constant 0 : index
    %get3A_6 = arith.constant 0 : index
    %get3A_7 = vector.load %arg1[%get3A_5, %get3A_6] : memref<64x1024xf32, #tpu.memory_space<vmem>>, vector<64x1024xf32>
    %get3A_8 = arith.constant 0 : index
    %get3A_9 = arith.constant 0 : index
    %get3A_10 = vector.load %arg0[%get3A_8, %get3A_9] : memref<160x128xf32, #tpu.memory_space<vmem>>, vector<151x1xf32>
    %dot_general3A = arith.constant dense<0.000000e+00> : vector<1x512xf32>
    %dot_general3A_11 = tpu.matmul %get3A_10, %get3A_1, %dot_general3A {dimension_numbers = #tpu.dot_dimension_numbers<[0], [0], [1], [1], [0, 1, 1, 1], [], []>, precision = #tpu.contract_precision<fp32>, transpose_lhs_hint = false} : vector<151x1xf32>, vector<151x512xf32>, vector<1x512xf32> -> vector<1x512xf32>
    %get3A_12 = arith.constant 0 : index
    %get3A_13 = arith.constant 0 : index
    %get3A_14 = vector.load %arg3[%get3A_12, %get3A_13] : memref<151x512xf32, #tpu.memory_space<vmem>>, vector<151x512xf32>
    %mul3A = vector.broadcast %get3A_10 : vector<151x1xf32> to vector<151x512xf32>
    %mul3A_15 = arith.mulf %mul3A, %get3A_14 : vector<151x512xf32>
    %dot_general3A_16 = arith.constant dense<0.000000e+00> : vector<51x512xf32>
    %dot_general3A_17 = tpu.matmul %get3A_4, %mul3A_15, %dot_general3A_16 {dimension_numbers = #tpu.dot_dimension_numbers<[1], [0], [0], [1], [0, 0, 1, 1], [], []>, precision = #tpu.contract_precision<fp32>, transpose_lhs_hint = false} : vector<51x151xf32>, vector<151x512xf32>, vector<51x512xf32> -> vector<51x512xf32>
    %slice3A = vector.extract_strided_slice %get3A_7 {offsets = [0, 0], sizes = [51, 512], strides = [1, 1]} : vector<64x1024xf32> to vector<51x512xf32>
    %mul3A_18 = arith.mulf %slice3A, %dot_general3A_17 : vector<51x512xf32>
    %reduce_sum3A = arith.constant dense<0.000000e+00> : vector<512xf32>
    %reduce_sum3A_19 = vector.multi_reduction <add>, %mul3A_18, %reduce_sum3A [0] : vector<51x512xf32> to vector<512xf32>
    %broadcast_in_dim3A = vector.shape_cast %reduce_sum3A_19 : vector<512xf32> to vector<1x512xf32>
    %get3A_20 = arith.constant 0 : index
    %get3A_21 = arith.constant 0 : index
    %get3A_22 = vector.load %arg7[%get3A_20, %get3A_21] : memref<512x512xf32, #tpu.memory_space<vmem>>, vector<512x512xf32>
    %dot_general3A_23 = arith.constant dense<0.000000e+00> : vector<1x512xf32>
    %dot_general3A_24 = tpu.matmul %broadcast_in_dim3A, %get3A_22, %dot_general3A_23 {dimension_numbers = #tpu.dot_dimension_numbers<[1], [1], [0], [0], [0, 0, 1, 0], [], []>, transpose_lhs_hint = false} : vector<1x512xf32>, vector<512x512xf32>, vector<1x512xf32> -> vector<1x512xf32>
    %get3A_25 = arith.constant 0 : index
    %get3A_26 = arith.constant 0 : index
    %get3A_27 = vector.load %arg8[%get3A_25, %get3A_26] : memref<1x512xf32, #tpu.memory_space<vmem>>, vector<1x512xf32>
    %add3A = arith.addf %dot_general3A_24, %get3A_27 : vector<1x512xf32>
    %add3A_28 = vector.broadcast %add3A : vector<1x512xf32> to vector<151x512xf32>
    %add3A_29 = arith.addf %get3A_1, %add3A_28 : vector<151x512xf32>
    %convert_element_type3A = arith.truncf %add3A_29 : vector<151x512xf32> to vector<151x512xbf16>
    %get3A_30 = arith.constant 0 : index
    %get3A_31 = arith.constant 0 : index
    %get3A_32 = vector.load %arg5[%get3A_30, %get3A_31] : memref<512x512xf32, #tpu.memory_space<vmem>>, vector<512x512xf32>
    %dot_general3A_33 = arith.constant dense<0.000000e+00> : vector<151x512xf32>
    %dot_general3A_34 = tpu.matmul %convert_element_type3A, %get3A_32, %dot_general3A_33 {dimension_numbers = #tpu.dot_dimension_numbers<[1], [1], [0], [0], [0, 0, 1, 0], [], []>, transpose_lhs_hint = false} : vector<151x512xbf16>, vector<512x512xf32>, vector<151x512xf32> -> vector<151x512xf32>
    %get3A_35 = arith.constant 0 : index
    %get3A_36 = arith.constant 0 : index
    %get3A_37 = vector.load %arg6[%get3A_35, %get3A_36] : memref<1x512xf32, #tpu.memory_space<vmem>>, vector<1x512xf32>
    %add3A_38 = vector.broadcast %get3A_37 : vector<1x512xf32> to vector<151x512xf32>
    %add3A_39 = arith.addf %dot_general3A_34, %add3A_38 : vector<151x512xf32>
    %max3A = arith.constant 0.000000e+00 : f32
    %max3A_40 = vector.broadcast %max3A : f32 to vector<151x512xf32>
    %max3A_41 = arith.maximumf %add3A_39, %max3A_40 : vector<151x512xf32>
    %mul3A_42 = vector.broadcast %get3A_10 : vector<151x1xf32> to vector<151x512xf32>
    %mul3A_43 = arith.mulf %mul3A_42, %max3A_41 : vector<151x512xf32>
    %dot_general3A_44 = arith.constant dense<0.000000e+00> : vector<51x512xf32>
    %dot_general3A_45 = tpu.matmul %get3A_4, %mul3A_43, %dot_general3A_44 {dimension_numbers = #tpu.dot_dimension_numbers<[1], [0], [0], [1], [0, 0, 1, 1], [], []>, precision = #tpu.contract_precision<fp32>, transpose_lhs_hint = false} : vector<51x151xf32>, vector<151x512xf32>, vector<51x512xf32> -> vector<51x512xf32>
    %slice3A_46 = vector.extract_strided_slice %get3A_7 {offsets = [0, 512], sizes = [51, 512], strides = [1, 1]} : vector<64x1024xf32> to vector<51x512xf32>
    %mul3A_47 = arith.mulf %slice3A_46, %dot_general3A_45 : vector<51x512xf32>
    %reduce_sum3A_48 = arith.constant dense<0.000000e+00> : vector<512xf32>
    %reduce_sum3A_49 = vector.multi_reduction <add>, %mul3A_47, %reduce_sum3A_48 [0] : vector<51x512xf32> to vector<512xf32>
    %broadcast_in_dim3A_50 = vector.shape_cast %reduce_sum3A_49 : vector<512xf32> to vector<1x512xf32>
    %get3A_51 = arith.constant 0 : index
    %get3A_52 = arith.constant 0 : index
    %get3A_53 = vector.load %arg9[%get3A_51, %get3A_52] : memref<512x512xf32, #tpu.memory_space<vmem>>, vector<512x512xf32>
    %dot_general3A_54 = arith.constant dense<0.000000e+00> : vector<1x512xf32>
    %dot_general3A_55 = tpu.matmul %broadcast_in_dim3A_50, %get3A_53, %dot_general3A_54 {dimension_numbers = #tpu.dot_dimension_numbers<[1], [1], [0], [0], [0, 0, 1, 0], [], []>, transpose_lhs_hint = false} : vector<1x512xf32>, vector<512x512xf32>, vector<1x512xf32> -> vector<1x512xf32>
    %add3A_56 = arith.addf %add3A, %dot_general3A_55 : vector<1x512xf32>
    %get3A_57 = arith.constant 0 : index
    %get3A_58 = arith.constant 0 : index
    %get3A_59 = vector.load %arg10[%get3A_57, %get3A_58] : memref<1x512xf32, #tpu.memory_space<vmem>>, vector<1x512xf32>
    %add3A_60 = arith.addf %add3A_56, %get3A_59 : vector<1x512xf32>
    %mul3A_61 = arith.constant 1.024000e+03 : f32
    %mul3A_62 = vector.broadcast %mul3A_61 : f32 to vector<1x512xf32>
    %mul3A_63 = arith.mulf %mul3A_62, %add3A_60 : vector<1x512xf32>
    %add3A_64 = arith.addf %dot_general3A_11, %mul3A_63 : vector<1x512xf32>
    %get3A_65 = arith.constant 0 : index
    %get3A_66 = arith.constant 0 : index
    %get3A_67 = vector.load %arg11[%get3A_65, %get3A_66] : memref<512x512xf32, #tpu.memory_space<vmem>>, vector<512x512xf32>
    %dot_general3A_68 = arith.constant dense<0.000000e+00> : vector<1x512xf32>
    %dot_general3A_69 = tpu.matmul %add3A_64, %get3A_67, %dot_general3A_68 {dimension_numbers = #tpu.dot_dimension_numbers<[1], [1], [0], [0], [0, 0, 1, 0], [], []>, transpose_lhs_hint = false} : vector<1x512xf32>, vector<512x512xf32>, vector<1x512xf32> -> vector<1x512xf32>
    %get3A_70 = arith.constant 0 : index
    %get3A_71 = arith.constant 0 : index
    %get3A_72 = vector.load %arg12[%get3A_70, %get3A_71] : memref<1x512xf32, #tpu.memory_space<vmem>>, vector<1x512xf32>
    %add3A_73 = arith.addf %dot_general3A_69, %get3A_72 : vector<1x512xf32>
    %max3A_74 = arith.constant 0.000000e+00 : f32
    %max3A_75 = vector.broadcast %max3A_74 : f32 to vector<1x512xf32>
    %max3A_76 = arith.maximumf %add3A_73, %max3A_75 : vector<1x512xf32>
    %get3A_77 = arith.constant 0 : index
    %get3A_78 = arith.constant 0 : index
    %get3A_79 = vector.load %arg13[%get3A_77, %get3A_78] : memref<1024x512xf32, #tpu.memory_space<vmem>>, vector<1024x512xf32>
    %dot_general3A_80 = arith.constant dense<0.000000e+00> : vector<1x1024xf32>
    %dot_general3A_81 = tpu.matmul %max3A_76, %get3A_79, %dot_general3A_80 {dimension_numbers = #tpu.dot_dimension_numbers<[1], [1], [0], [0], [0, 0, 1, 0], [], []>, transpose_lhs_hint = false} : vector<1x512xf32>, vector<1024x512xf32>, vector<1x1024xf32> -> vector<1x1024xf32>
    %get3A_82 = arith.constant 0 : index
    %get3A_83 = arith.constant 0 : index
    %get3A_84 = vector.load %arg14[%get3A_82, %get3A_83] : memref<1x1024xf32, #tpu.memory_space<vmem>>, vector<1x1024xf32>
    %add3A_85 = arith.addf %dot_general3A_81, %get3A_84 : vector<1x1024xf32>
    %max3A_86 = arith.constant 0.000000e+00 : f32
    %max3A_87 = vector.broadcast %max3A_86 : f32 to vector<1x1024xf32>
    %max3A_88 = arith.maximumf %add3A_85, %max3A_87 : vector<1x1024xf32>
    %swap3A = arith.constant 0 : index
    %swap3A_89 = arith.constant 0 : index
    %swap3A_90 = vector.load %arg15[%swap3A, %swap3A_89] : memref<1x1024xf32, #tpu.memory_space<vmem>>, vector<1x1024xf32>
    tpu.vector_store %arg15[%swap3A, %swap3A_89], %max3A_88 {strides = array<i32>} : memref<1x1024xf32, #tpu.memory_space<vmem>>, vector<1x1024xf32>,
    return
  }
}

module attributes {stable_mosaic.version = 14 : i64} {
  func.func @_tc1_body(%arg0: memref<3x2048xi32, #tpu.memory_space<vmem>>, %arg1: memref<151x512xf32, #tpu.memory_space<vmem>>, %arg2: memref<51x512xf32, #tpu.memory_space<vmem>>, %arg3: memref<51x512xf32, #tpu.memory_space<vmem>>, %arg4: memref<51x512xf32, #tpu.memory_space<vmem>>, %arg5: memref<512x1536xf32, #tpu.memory_space<vmem>>, %arg6: memref<1x512xf32, #tpu.memory_space<vmem>>, %arg7: memref<512x1536xf32, #tpu.memory_space<vmem>>, %arg8: memref<1x512xf32, #tpu.memory_space<vmem>>, %arg9: memref<512x512xf32, #tpu.memory_space<vmem>>, %arg10: memref<1x512xf32, #tpu.memory_space<vmem>>, %arg11: memref<64x1024xf32, #tpu.memory_space<vmem>>, %arg12: memref<51x151xf32, #tpu.memory_space<vmem>>, %arg13: memref<151x512xf32, #tpu.memory_space<vmem>>) attributes {dimension_semantics = [], scalar_prefetch = 0 : i64, scratch_operands = 0 : i64, tpu.core_type = #tpu.core_type<tc>} {
    %get3A = arith.constant 0 : index
    %get3A_0 = arith.constant 0 : index
    %get3A_1 = vector.load %arg1[%get3A, %get3A_0] : memref<151x512xf32, #tpu.memory_space<vmem>>, vector<151x512xf32>
    %convert_element_type3A = arith.truncf %get3A_1 : vector<151x512xf32> to vector<151x512xbf16>
    %get3A_2 = arith.constant 0 : index
    %get3A_3 = arith.constant 0 : index
    %get3A_4 = vector.load %arg4[%get3A_2, %get3A_3] : memref<51x512xf32, #tpu.memory_space<vmem>>, vector<51x512xf32>
    %convert_element_type3A_5 = arith.truncf %get3A_4 : vector<51x512xf32> to vector<51x512xbf16>
    %get3A_6 = arith.constant 0 : index
    %get3A_7 = arith.constant 0 : index
    %get3A_8 = vector.load %arg2[%get3A_6, %get3A_7] : memref<51x512xf32, #tpu.memory_space<vmem>>, vector<51x512xf32>
    %convert_element_type3A_9 = arith.truncf %get3A_8 : vector<51x512xf32> to vector<51x512xbf16>
    %get3A_10 = arith.constant 0 : index
    %get3A_11 = arith.constant 0 : index
    %get3A_12 = vector.load %arg3[%get3A_10, %get3A_11] : memref<51x512xf32, #tpu.memory_space<vmem>>, vector<51x512xf32>
    %convert_element_type3A_13 = arith.truncf %get3A_12 : vector<51x512xf32> to vector<51x512xbf16>
    %dot_general3A = arith.constant dense<0.000000e+00> : vector<51x151xf32>
    %dot_general3A_14 = tpu.matmul %convert_element_type3A_5, %convert_element_type3A, %dot_general3A {dimension_numbers = #tpu.dot_dimension_numbers<[1], [1], [0], [0], [0, 0, 1, 0], [], []>, transpose_lhs_hint = false} : vector<51x512xbf16>, vector<151x512xbf16>, vector<51x151xf32> -> vector<51x151xf32>
    %convert_element_type3A_15 = arith.truncf %dot_general3A_14 : vector<51x151xf32> to vector<51x151xbf16>
    %convert_element_type3A_16 = arith.extf %convert_element_type3A_15 : vector<51x151xbf16> to vector<51x151xf32>
    %swap3A = arith.constant 0 : index
    %swap3A_17 = arith.constant 0 : index
    %swap3A_18 = vector.load %arg12[%swap3A, %swap3A_17] : memref<51x151xf32, #tpu.memory_space<vmem>>, vector<51x151xf32>
    tpu.vector_store %arg12[%swap3A, %swap3A_17], %convert_element_type3A_16 {strides = array<i32>} : memref<51x151xf32, #tpu.memory_space<vmem>>, vector<51x151xf32>,
    %get3A_19 = arith.constant 0 : index
    %get3A_20 = arith.constant 0 : index
    %get3A_21 = vector.load %arg0[%get3A_19, %get3A_20] : memref<3x2048xi32, #tpu.memory_space<vmem>>, vector<1x2048xi32>
    %get3A_22 = arith.constant 1 : index
    %get3A_23 = arith.constant 0 : index
    %get3A_24 = vector.load %arg0[%get3A_22, %get3A_23] : memref<3x2048xi32, #tpu.memory_space<vmem>>, vector<1x2048xi32>
    %get3A_25 = arith.constant 2 : index
    %get3A_26 = arith.constant 0 : index
    %get3A_27 = vector.load %arg0[%get3A_25, %get3A_26] : memref<3x2048xi32, #tpu.memory_space<vmem>>, vector<1x2048xi32>
    %iota3A = tpu.iota {dimensions = array<i32: 0>} : vector<192x2048xi32>
    %eq3A = vector.broadcast %get3A_21 : vector<1x2048xi32> to vector<192x2048xi32>
    %eq3A_28 = arith.cmpi eq, %iota3A, %eq3A : vector<192x2048xi32>
    %sub3A = arith.constant 64 : i32
    %sub3A_29 = vector.broadcast %sub3A : i32 to vector<192x2048xi32>
    %sub3A_30 = arith.subi %iota3A, %sub3A_29 : vector<192x2048xi32>
    %eq3A_31 = vector.broadcast %get3A_24 : vector<1x2048xi32> to vector<192x2048xi32>
    %eq3A_32 = arith.cmpi eq, %sub3A_30, %eq3A_31 : vector<192x2048xi32>
    %or3A = arith.ori %eq3A_28, %eq3A_32 : vector<192x2048xi1>
    %sub3A_33 = arith.constant 128 : i32
    %sub3A_34 = vector.broadcast %sub3A_33 : i32 to vector<192x2048xi32>
    %sub3A_35 = arith.subi %iota3A, %sub3A_34 : vector<192x2048xi32>
    %eq3A_36 = vector.broadcast %get3A_27 : vector<1x2048xi32> to vector<192x2048xi32>
    %eq3A_37 = arith.cmpi eq, %sub3A_35, %eq3A_36 : vector<192x2048xi32>
    %or3A_38 = arith.ori %or3A, %eq3A_37 : vector<192x2048xi1>
    %convert_element_type3A_39 = arith.extui %or3A_38 : vector<192x2048xi1> to vector<192x2048xi32>
    %convert_element_type3A_40 = arith.sitofp %convert_element_type3A_39 : vector<192x2048xi32> to vector<192x2048xf32>
    %convert_element_type3A_41 = arith.truncf %convert_element_type3A_40 : vector<192x2048xf32> to vector<192x2048xbf16>
    %iota3A_42 = tpu.iota {dimensions = array<i32: 0>} : vector<64x2048xi32>
    %eq3A_43 = vector.broadcast %get3A_27 : vector<1x2048xi32> to vector<64x2048xi32>
    %eq3A_44 = arith.cmpi eq, %iota3A_42, %eq3A_43 : vector<64x2048xi32>
    %convert_element_type3A_45 = arith.extui %eq3A_44 : vector<64x2048xi1> to vector<64x2048xi32>
    %convert_element_type3A_46 = arith.sitofp %convert_element_type3A_45 : vector<64x2048xi32> to vector<64x2048xf32>
    %convert_element_type3A_47 = arith.truncf %convert_element_type3A_46 : vector<64x2048xf32> to vector<64x2048xbf16>
    %broadcast_in_dim3A = arith.constant 0.000000e+00 : f32
    %broadcast_in_dim3A_48 = vector.broadcast %broadcast_in_dim3A : f32 to vector<13x512xf32>
    %get3A_49 = arith.constant 0 : index
    %get3A_50 = arith.constant 0 : index
    %get3A_51 = vector.load %arg5[%get3A_49, %get3A_50] : memref<512x1536xf32, #tpu.memory_space<vmem>>, vector<512x1536xf32>
    %get3A_52 = arith.constant 0 : index
    %get3A_53 = arith.constant 0 : index
    %get3A_54 = vector.load %arg6[%get3A_52, %get3A_53] : memref<1x512xf32, #tpu.memory_space<vmem>>, vector<1x512xf32>
    %get3A_55 = arith.constant 0 : index
    %get3A_56 = arith.constant 0 : index
    %get3A_57 = vector.load %arg7[%get3A_55, %get3A_56] : memref<512x1536xf32, #tpu.memory_space<vmem>>, vector<512x1536xf32>
    %get3A_58 = arith.constant 0 : index
    %get3A_59 = arith.constant 0 : index
    %get3A_60 = vector.load %arg8[%get3A_58, %get3A_59] : memref<1x512xf32, #tpu.memory_space<vmem>>, vector<1x512xf32>
    %slice3A = vector.extract_strided_slice %get3A_51 {offsets = [0, 0], sizes = [512, 512], strides = [1, 1]} : vector<512x1536xf32> to vector<512x512xf32>
    %dot_general3A_61 = arith.constant dense<0.000000e+00> : vector<51x512xf32>
    %dot_general3A_62 = tpu.matmul %convert_element_type3A_9, %slice3A, %dot_general3A_61 {dimension_numbers = #tpu.dot_dimension_numbers<[1], [1], [0], [0], [0, 0, 1, 0], [], []>, transpose_lhs_hint = false} : vector<51x512xbf16>, vector<512x512xf32>, vector<51x512xf32> -> vector<51x512xf32>
    %slice3A_63 = vector.extract_strided_slice %get3A_51 {offsets = [0, 512], sizes = [512, 512], strides = [1, 1]} : vector<512x1536xf32> to vector<512x512xf32>
    %dot_general3A_64 = arith.constant dense<0.000000e+00> : vector<51x512xf32>
    %dot_general3A_65 = tpu.matmul %convert_element_type3A_13, %slice3A_63, %dot_general3A_64 {dimension_numbers = #tpu.dot_dimension_numbers<[1], [1], [0], [0], [0, 0, 1, 0], [], []>, transpose_lhs_hint = false} : vector<51x512xbf16>, vector<512x512xf32>, vector<51x512xf32> -> vector<51x512xf32>
    %slice3A_66 = vector.extract_strided_slice %get3A_51 {offsets = [0, 1024], sizes = [512, 512], strides = [1, 1]} : vector<512x1536xf32> to vector<512x512xf32>
    %dot_general3A_67 = arith.constant dense<0.000000e+00> : vector<51x512xf32>
    %dot_general3A_68 = tpu.matmul %convert_element_type3A_5, %slice3A_66, %dot_general3A_67 {dimension_numbers = #tpu.dot_dimension_numbers<[1], [1], [0], [0], [0, 0, 1, 0], [], []>, transpose_lhs_hint = false} : vector<51x512xbf16>, vector<512x512xf32>, vector<51x512xf32> -> vector<51x512xf32>
    %add3A = vector.broadcast %get3A_54 : vector<1x512xf32> to vector<51x512xf32>
    %add3A_69 = arith.addf %dot_general3A_68, %add3A : vector<51x512xf32>
    %concatenate3A = tpu.concatenate %dot_general3A_62, %broadcast_in_dim3A_48, %dot_general3A_65, %broadcast_in_dim3A_48, %add3A_69, %broadcast_in_dim3A_48 in 0 : vector<51x512xf32>, vector<13x512xf32>, vector<51x512xf32>, vector<13x512xf32>, vector<51x512xf32>, vector<13x512xf32> -> vector<192x512xf32>
    %slice3A_70 = vector.extract_strided_slice %get3A_57 {offsets = [0, 0], sizes = [512, 512], strides = [1, 1]} : vector<512x1536xf32> to vector<512x512xf32>
    %dot_general3A_71 = arith.constant dense<0.000000e+00> : vector<51x512xf32>
    %dot_general3A_72 = tpu.matmul %convert_element_type3A_9, %slice3A_70, %dot_general3A_71 {dimension_numbers = #tpu.dot_dimension_numbers<[1], [1], [0], [0], [0, 0, 1, 0], [], []>, transpose_lhs_hint = false} : vector<51x512xbf16>, vector<512x512xf32>, vector<51x512xf32> -> vector<51x512xf32>
    %slice3A_73 = vector.extract_strided_slice %get3A_57 {offsets = [0, 512], sizes = [512, 512], strides = [1, 1]} : vector<512x1536xf32> to vector<512x512xf32>
    %dot_general3A_74 = arith.constant dense<0.000000e+00> : vector<51x512xf32>
    %dot_general3A_75 = tpu.matmul %convert_element_type3A_13, %slice3A_73, %dot_general3A_74 {dimension_numbers = #tpu.dot_dimension_numbers<[1], [1], [0], [0], [0, 0, 1, 0], [], []>, transpose_lhs_hint = false} : vector<51x512xbf16>, vector<512x512xf32>, vector<51x512xf32> -> vector<51x512xf32>
    %slice3A_76 = vector.extract_strided_slice %get3A_57 {offsets = [0, 1024], sizes = [512, 512], strides = [1, 1]} : vector<512x1536xf32> to vector<512x512xf32>
    %dot_general3A_77 = arith.constant dense<0.000000e+00> : vector<51x512xf32>
    %dot_general3A_78 = tpu.matmul %convert_element_type3A_5, %slice3A_76, %dot_general3A_77 {dimension_numbers = #tpu.dot_dimension_numbers<[1], [1], [0], [0], [0, 0, 1, 0], [], []>, transpose_lhs_hint = false} : vector<51x512xbf16>, vector<512x512xf32>, vector<51x512xf32> -> vector<51x512xf32>
    %add3A_79 = vector.broadcast %get3A_60 : vector<1x512xf32> to vector<51x512xf32>
    %add3A_80 = arith.addf %dot_general3A_78, %add3A_79 : vector<51x512xf32>
    %concatenate3A_81 = tpu.concatenate %dot_general3A_72, %broadcast_in_dim3A_48, %dot_general3A_75, %broadcast_in_dim3A_48, %add3A_80, %broadcast_in_dim3A_48 in 0 : vector<51x512xf32>, vector<13x512xf32>, vector<51x512xf32>, vector<13x512xf32>, vector<51x512xf32>, vector<13x512xf32> -> vector<192x512xf32>
    %concatenate3A_82 = tpu.concatenate %concatenate3A, %concatenate3A_81 in 1 : vector<192x512xf32>, vector<192x512xf32> -> vector<192x1024xf32>
    %convert_element_type3A_83 = arith.truncf %concatenate3A_82 : vector<192x1024xf32> to vector<192x1024xbf16>
    %convert_element_type3A_84 = arith.extf %convert_element_type3A_83 : vector<192x1024xbf16> to vector<192x1024xf32>
    %sub3A_85 = arith.subf %concatenate3A_82, %convert_element_type3A_84 : vector<192x1024xf32>
    %convert_element_type3A_86 = arith.truncf %sub3A_85 : vector<192x1024xf32> to vector<192x1024xbf16>
    %dot_general3A_87 = arith.constant dense<0.000000e+00> : vector<2048x1024xf32>
    %dot_general3A_88 = tpu.matmul %convert_element_type3A_41, %convert_element_type3A_83, %dot_general3A_87 {dimension_numbers = #tpu.dot_dimension_numbers<[0], [0], [1], [1], [0, 1, 1, 1], [], []>, transpose_lhs_hint = false} : vector<192x2048xbf16>, vector<192x1024xbf16>, vector<2048x1024xf32> -> vector<2048x1024xf32>
    %dot_general3A_89 = arith.constant dense<0.000000e+00> : vector<2048x1024xf32>
    %dot_general3A_90 = tpu.matmul %convert_element_type3A_41, %convert_element_type3A_86, %dot_general3A_89 {dimension_numbers = #tpu.dot_dimension_numbers<[0], [0], [1], [1], [0, 1, 1, 1], [], []>, transpose_lhs_hint = false} : vector<192x2048xbf16>, vector<192x1024xbf16>, vector<2048x1024xf32> -> vector<2048x1024xf32>
    %add3A_91 = arith.addf %dot_general3A_88, %dot_general3A_90 : vector<2048x1024xf32>
    %max3A = arith.constant 0.000000e+00 : f32
    %max3A_92 = vector.broadcast %max3A : f32 to vector<2048x1024xf32>
    %max3A_93 = arith.maximumf %add3A_91, %max3A_92 : vector<2048x1024xf32>
    %convert_element_type3A_94 = arith.truncf %max3A_93 : vector<2048x1024xf32> to vector<2048x1024xbf16>
    %dot_general3A_95 = arith.constant dense<0.000000e+00> : vector<64x1024xf32>
    %dot_general3A_96 = tpu.matmul %convert_element_type3A_47, %convert_element_type3A_94, %dot_general3A_95 {dimension_numbers = #tpu.dot_dimension_numbers<[1], [0], [0], [1], [0, 0, 1, 1], [], []>, transpose_lhs_hint = false} : vector<64x2048xbf16>, vector<2048x1024xbf16>, vector<64x1024xf32> -> vector<64x1024xf32>
    %swap3A_97 = arith.constant 0 : index
    %swap3A_98 = arith.constant 0 : index
    %swap3A_99 = vector.load %arg11[%swap3A_97, %swap3A_98] : memref<64x1024xf32, #tpu.memory_space<vmem>>, vector<64x1024xf32>
    tpu.vector_store %arg11[%swap3A_97, %swap3A_98], %dot_general3A_96 {strides = array<i32>} : memref<64x1024xf32, #tpu.memory_space<vmem>>, vector<64x1024xf32>,
    %get3A_100 = arith.constant 0 : index
    %get3A_101 = arith.constant 0 : index
    %get3A_102 = vector.load %arg9[%get3A_100, %get3A_101] : memref<512x512xf32, #tpu.memory_space<vmem>>, vector<512x512xf32>
    %dot_general3A_103 = arith.constant dense<0.000000e+00> : vector<151x512xf32>
    %dot_general3A_104 = tpu.matmul %convert_element_type3A, %get3A_102, %dot_general3A_103 {dimension_numbers = #tpu.dot_dimension_numbers<[1], [1], [0], [0], [0, 0, 1, 0], [], []>, transpose_lhs_hint = false} : vector<151x512xbf16>, vector<512x512xf32>, vector<151x512xf32> -> vector<151x512xf32>
    %get3A_105 = arith.constant 0 : index
    %get3A_106 = arith.constant 0 : index
    %get3A_107 = vector.load %arg10[%get3A_105, %get3A_106] : memref<1x512xf32, #tpu.memory_space<vmem>>, vector<1x512xf32>
    %add3A_108 = vector.broadcast %get3A_107 : vector<1x512xf32> to vector<151x512xf32>
    %add3A_109 = arith.addf %dot_general3A_104, %add3A_108 : vector<151x512xf32>
    %max3A_110 = arith.constant 0.000000e+00 : f32
    %max3A_111 = vector.broadcast %max3A_110 : f32 to vector<151x512xf32>
    %max3A_112 = arith.maximumf %add3A_109, %max3A_111 : vector<151x512xf32>
    %swap3A_113 = arith.constant 0 : index
    %swap3A_114 = arith.constant 0 : index
    %swap3A_115 = vector.load %arg13[%swap3A_113, %swap3A_114] : memref<151x512xf32, #tpu.memory_space<vmem>>, vector<151x512xf32>
    tpu.vector_store %arg13[%swap3A_113, %swap3A_114], %max3A_112 {strides = array<i32>} : memref<151x512xf32, #tpu.memory_space<vmem>>, vector<151x512xf32>,
    return
  }
}

</mosaic_0001>

<sc_bundles>
// kernel: kernel.5.cloned.1.call-start
scs
__scs_entry_jumppad:
0x0: {  	(pc) =	sbr.rel $0x88, $3  }
0x1: {  	(tag) =	ssettag $0x0;
	lr =	simm.s32 $0x1  }
0x2: {  	[smem:$0x3F8B] =	sst lr;
	_ =	strace $0xD0000000  }
0x3: {  	_ = 	snop  }
0x4: {  	_ = 	snop  }
0x5: {  	_ = 	snop  }
0x6: {  	_ = 	snop  }
0x7: {  	_ = 	snop  }
__scs_overlays_trampoline_lowered:
0x8: {  	[smem:$0x3F9A] =	sst s0  }
0x9: {  	[smem:$0x3F9B] =	sst s1  }
0xa: {  	[smem:$0x3F9C] =	sst s2  }
0xb: {  	[smem:$0x3F9D] =	sst s3  }
0xc: {  	[smem:$0x3F9E] =	sst s4  }
0xd: {  	[smem:$0x3F9F] =	sst s5  }
0xe: {  	[smem:$0x3FA0] =	sst s6  }
0xf: {  	[smem:$0x3FA1] =	sst s7  }
0x10: {  	[smem:$0x3FA2] =	sst s8  }
0x11: {  	[smem:$0x3FA3] =	sst s9;
	s0 =	simm.s32 @!p0 $0x0  }
0x12: {  	s1 =	sld [smem:$0x3F89];
	s0 =	simm.s32 @p0 $0x1  }
0x13: {  	[smem:$0x3FA4] =	sst s0;
	s0 =	simm.s32 @!p1 $0x0  }
0x14: {  	s2 =	sld [smem:$0x3F88];
	s0 =	simm.s32 @p1 $0x1  }
0x15: {  	[smem:$0x3FA5] =	sst s0;
	s0 =	simm.s32 @!p2 $0x0  }
0x16: {  	s3 =	sld [smem:$0x3FDB];
	s0 =	simm.s32 @p2 $0x1  }
0x17: {  	s4 =	simm.s32 $0x1BF5;
	[smem:$0x3FA7] =	sst s0  }
0x18: {  	s0 =	sld [smem:$0x3F8A];
	_ =	swait.ge [sflag:s4], $0x0  }
0x19: {  	s7 =	sld [smem:$0x3F8B]  }
0x1a: {  	s8 =	sadd.s32 $0xFFFFE003, lr  }
0x1b: {  	s9 =	sadd.s32 $0xFFFFFEF7, lr;
	s5 =	simm.s32 $0xFFFFFFFF;
	p2 =	slt.u32 s8, $0xFFFFF086  }
0x1c: {  	p1 =	slt.u32 s9, $0xF7A;
	s5 =	simm.s32 @!p2 $0x0  }
0x1d: {  	s5 =	simm.s32 @p1 $0x1;
	p0 =	seq.s32 s7, s2  }
0x1e: {  	s7 =	smul.u32 @!p0 $0xF7A, s2;
	p2 =	seq.s32 @!p0 s5, $0x0  }
0x1f: {  	s9 =	smul.u32 $0xF7A, s1;
	s8 =	simm.s32 @!p0 $0x1BF5;
	p2 =	por !p2, p0  }
0x20: {  	[sflag:s8] =	ssyncset.s32 @!p0 $0xFFFFF086;
	s6 =	sadd.s32 @!p0 s3, s7;
	s7 =	simm.s32 @!p0 $0x108  }
0x21: {  	s3 =	sadd.s32 s3, s9;
	s6 =	sadd.s32 @!p0 $0x88, s6;
	s7 =	simm.s32 @p2 $0x1082  }
0x22: {  	[simem:s7], [sflag:s8] =	dma.local @!p0 [hbm:s6], $0xF7A  }
0x23: {  	s9 =	sor.u32 $0xD0000000, s2;
	s6 =	simm.s32 $0x108;
	_ =	swait.ge @!p0 [sflag:s8], $0x0  }
0x24: {  	s3 =	sadd.s32 $0x88, s3;
	s6 =	simm.s32 @!p1 $0x1082;
	[sflag:s4] =	ssyncset.s32 $0xFFFFF086  }
0x25: {  	[simem:s6], [sflag:s4] =	dma.local [hbm:s3], $0xF7A  }
0x26: {  	[smem:$0x3F8B] =	sst s1;
	(tag) =	ssettag s2;
	_ =	strace s9  }
0x27: {  	s1 =	sld [smem:$0x3F9B]  }
0x28: {  	s2 =	sld [smem:$0x3F9C]  }
0x29: {  	s4 =	sld [smem:$0x3F9E]  }
0x2a: {  	p0 =	seq.s32 s5, $0x0;
	s5 =	sld [smem:$0x3F9F]  }
0x2b: {  	s6 =	sld [smem:$0x3FA0]  }
0x2c: {  	s7 =	sld [smem:$0x3FA1]  }
0x2d: {  	s3 =	simm.s32 $0x108;
	s8 =	sld [smem:$0x3FA2]  }
0x2e: {  	s3 =	simm.s32 @!p0 $0x1082;
	s9 =	sld [smem:$0x3FA3]  }
0x2f: {  	lr =	sadd.s32 s0, s3;
	s0 =	sld [smem:$0x3F9A]  }
0x30: {  	s3 =	sld [smem:$0x3F9D]  }
0x31: {  	[smem:$0x3FA6] =	sst s10  }
0x32: {  	s10 =	sld [smem:$0x3FA4];
	_ =	sdelay $0x3  }
0x33: {  	p0 =	seq.s32 s10, $0x1;
	s10 =	sld [smem:$0x3FA6];
	_ =	sdelay $0x3  }
0x34: {  	[smem:$0x3FA6] =	sst s10  }
0x35: {  	s10 =	sld [smem:$0x3FA5];
	_ =	sdelay $0x3  }
0x36: {  	p1 =	seq.s32 s10, $0x1;
	s10 =	sld [smem:$0x3FA6];
	_ =	sdelay $0x3  }
0x37: {  	[smem:$0x3FA6] =	sst s10  }
0x38: {  	s10 =	sld [smem:$0x3FA7]  }
0x39: {  	_ = 	snop;
	(pc) =	sbr.ind lr, $3  }
0x3a: {  	_ = 	snop  }
0x3b: {  	_ = 	snop  }
0x3c: {  	p2 =	seq.s32 s10, $0x1;
	s10 =	sld [smem:$0x3FA6]  }
0x3d: {  	_ =	shalt  }
0x3e: {  	_ =	shalt  }
0x3f: {  	_ =	shalt  }
0x40: {  	_ =	shalt  }
0x41: {  	_ =	shalt  }
0x42: {  	_ =	shalt  }
0x43: {  	_ =	shalt  }
0x44: {  	_ =	shalt  }
0x45: {  	_ =	shalt  }
0x46: {  	_ =	shalt  }
0x47: {  	_ =	shalt  }
0x48: {  	_ =	shalt  }
0x49: {  	_ =	shalt  }
0x4a: {  	_ =	shalt  }
0x4b: {  	_ =	shalt  }
0x4c: {  	_ =	shalt  }
0x4d: {  	_ =	shalt  }
0x4e: {  	_ =	shalt  }
0x4f: {  	_ =	shalt  }
0x50: {  	_ =	shalt  }
0x51: {  	_ =	shalt  }
0x52: {  	_ =	shalt  }
0x53: {  	_ =	shalt  }
0x54: {  	_ =	shalt  }
0x55: {  	_ =	shalt  }
0x56: {  	_ =	shalt  }
0x57: {  	_ =	shalt  }
0x58: {  	_ =	shalt  }
0x59: {  	_ =	shalt  }
0x5a: {  	_ =	shalt  }
0x5b: {  	_ =	shalt  }
0x5c: {  	_ =	shalt  }
0x5d: {  	_ =	shalt  }
0x5e: {  	_ =	shalt  }
0x5f: {  	_ =	shalt  }
0x60: {  	_ =	shalt  }
0x61: {  	_ =	shalt  }
0x62: {  	_ =	shalt  }
0x63: {  	_ =	shalt  }
0x64: {  	_ =	shalt  }
0x65: {  	_ =	shalt  }
0x66: {  	_ =	shalt  }
0x67: {  	_ =	shalt  }
0x68: {  	_ =	shalt  }
0x69: {  	_ =	shalt  }
0x6a: {  	_ =	shalt  }
0x6b: {  	_ =	shalt  }
0x6c: {  	_ =	shalt  }
0x6d: {  	_ =	shalt  }
0x6e: {  	_ =	shalt  }
0x6f: {  	_ =	shalt  }
0x70: {  	_ =	shalt  }
0x71: {  	_ =	shalt  }
0x72: {  	_ =	shalt  }
0x73: {  	_ =	shalt  }
0x74: {  	_ =	shalt  }
0x75: {  	_ =	shalt  }
0x76: {  	_ =	shalt  }
0x77: {  	_ =	shalt  }
0x78: {  	_ =	shalt  }
0x79: {  	_ =	shalt  }
0x7a: {  	_ =	shalt  }
0x7b: {  	_ =	shalt  }
0x7c: {  	_ =	shalt  }
0x7d: {  	_ =	shalt  }
0x7e: {  	_ =	shalt  }
0x7f: {  	_ =	shalt  }
0x80: {  	_ =	shalt  }
0x81: {  	_ =	shalt  }
0x82: {  	_ =	shalt  }
0x83: {  	_ =	shalt  }
0x84: {  	_ =	shalt  }
0x85: {  	_ =	shalt  }
0x86: {  	_ =	shalt  }
0x87: {  	_ =	shalt  }
.Lfunc_end0:
.L_simem_size_0:
called_computation_lowered:
.L_overlay_start_0:
0x88: {  	s0 =	sld [smem:$0x3FD9]  }
0x89: {  	s1 =	sld [smem:$0x3FFE];
	_ =	sdelay $0x3  }
0x8a: {  	s0 =	sadd.s32 s1, s0  }
0x8b: {  	[smem:$0x3FB2] =	sst s0  }
0x8c: {  	_ = 	snop  }
0x8d: {  	s0 =	sld [smem:$0x3FC9];
	(tm) =	ssettm $0x1  }
0x8e: {  	s16 =	sld [smem:$0x3FFB];
	_ =	sdelay $0x3  }
0x8f: {  	_ =	strace s16  }
0x90: {  	s1 =	sld [smem:$0x3FFC];
	_ =	sdelay $0x3  }
0x91: {  	_ =	strace s1  }
0x92: {  	s1 =	sld [smem:$0x3FFD];
	_ =	sdelay $0x3  }
0x93: {  	_ =	strace s1  }
0x94: {  	_ =	strace $0x8FFFFFFF  }
0x95: {  	s17 =	sld [smem:$0x3FDB];
	_ =	sdelay $0x1  }
0x96: {  	s2 =	simm.s32 $_scs_section_size  }
0x97: {  	s3 =	simm.s32 $_size__tile_overlayer_lowered;
	s4 =	simm.s32 $_tile_overlayer_lowered  }
0x98: {  	s20 =	simm.s32 $0x1BFF;
	s19 =	sshll.u32 s4, $0x1;
	s1 =	sadd.s32 s2, s17  }
0x99: {  	s5 =	simm.s32 $0x0;
	s18 =	sshll.u32 s3, $0x1;
	s3 =	sadd.s32 s19, s1  }
0x9a: {  	[timem:s5], [sflag:s20] =	dma.local [hbm:s3], s18  }
0x9b: {  	_ =	swait.ge [sflag:s20], s18  }
0x9c: {  	s2 =	ssub.s32 $0x0, s18;
	[sflag:s20] =	ssyncset.done $0x0  }
0x9d: {  	[sflag:s20] =	ssyncadd.s32 s2;
	_ =	sdelay $0x1  }
0x9e: {  	s21 =	simm.s32 $0x1B8B  }
0x9f: {  	_ =	swait.ge [sflag:s21], $0x1  }
0xa0: {  	[sflag:s21] =	ssyncset.done $0x0  }
0xa1: {  	s23 =	simm.s32 $0x1B8E;
	s22 =	sld [smem:$0x3FFE];
	[sflag:s21] =	ssyncadd.s32 $0xFFFFFFFF  }
0xa2: {  	s24 =	simm.s32 $execute0_lowered;
	[smem:$0x3FD2] =	sst s23  }
0xa3: {  	s3 =	sshll.u32 s24, $0x1;
	_ =	strace $0x80000046;
	[dreg:$0x1] =	wrdreg $0xFFFFFFFF  }
0xa4: {  	s25 =	simm.s32 $_size_execute0_lowered;
	s1 =	sadd.s32 s1, s3;
	[dreg:$0x0] =	wrdreg $0x0  }
0xa5: {  	s3 =	sshll.u32 s25, $0x1;
	[dreg:$0x2] =	wrdreg s1  }
0xa6: {  	[dreg:$0x3] =	wrdreg s3  }
0xa7: {  	[dreg:$0x4] =	wrdreg $0xC0  }
0xa8: {  	_ =	task [dreg:s5], $0x5FFFF  }
0xa9: {  	[dreg:$0x1] =	wrdreg $0xFFFFFFFF  }
0xaa: {  	[dreg:$0x0] =	wrdreg $0x60  }
0xab: {  	[dreg:$0x2] =	wrdreg s0  }
0xac: {  	[dreg:$0x3] =	wrdreg s22  }
0xad: {  	[dreg:$0x4] =	wrdreg $0x20800  }
0xae: {  	[dreg:$0x5] =	wrdreg $0x9  }
0xaf: {  	_ =	task.clear_ibuf [dreg:s5], $0x6FFFF;
	_ =	strace $0x90000046  }
0xb0: {  	s26 =	simm.s32 $0x9;
	_ =	strace $0x80000048  }
0xb1: {  	_ =	swait.ge [sflag:s26], $0x1  }
0xb2: {  	[sflag:s26] =	ssyncadd.s32 $0xFFFFFFFF  }
0xb3: {  	_ =	strace $0x90000048  }
0xb4: {  	_ =	sfence  }
0xb5: {  	s28 =	sld [smem:$0x0];
	_ =	sdelay $0x1  }
0xb6: {  	s29 =	srdreg.scid  }
0xb7: {  	s30 =	sshll.u32 s29, $0xD;
	s31 =	sshrl.u32 s29, $0x2  }
0xb8: {  	s2 =	sand.u32 $0x4000, s30;
	s1 =	sand.u32 $0x1, s29;
	s0 =	sadd.s32 s31, s28  }
0xb9: {  	s1 =	sor.u32 s2, s1;
	s0 =	sshll.u32 s0, $0x11  }
0xba: {  	s0 =	sor.u32 s0, s1  }
0xbb: {  	s0 =	sadd.s32 $0x8F2B, s0  }
0xbc: {  	[sflag:s0] =	ssyncadd.remote.s32 $0x1  }
0xbd: {  	_ =	sfence.sel $0xFFFF  }
0xbe: {  	[dreg:$0x0] =	wrdreg $0xFFFFFFFF;
	(pc) =	sbr.abs _section_cstart, $3  }
0xbf: {  	[dreg:$0x1] =	wrdreg $0xFFFFFFFF  }
0xc0: {  	_ =	task.clear_ibuf [dreg:s5], $0x2FFFF;
	_ =	strace $0x9FFFFFFF  }
0xc1: {  	(tm) =	ssettm $0x7FFFFFFF  }
tec
execute0_lowered:
.L_overlay_start_1:
0x0: {  	(tag) =	ssettag $0x1  }
0x1: {  	s0 =	rddreg [dreg:$0x0]  }
0x2: {  	s1 =	rddreg [dreg:$0x1]  }
0x3: {  	s2 =	rddreg [dreg:$0x2]  }
0x4: {  	s3 =	rddreg [dreg:$0x3];
	s4 =	simm.s32 $0x0;
	s5 =	stileid.u32  }
0x5: {  	[smem:$0x7FF] =	sst s4;
	p0 =	sne.s32 s5, $0x0;
	s6 =	sadd.s32 $0x3000, s1  }
0x6: {  	_ =	strace $0x80000047;
	s7 =	sshrl.u32 @!p0 s2, $0x3;
	s8 =	simm.s32 @!p0 $0x1C01  }
0x7: {  	[spmem:s7], [sflag:s8] =	dma.local @!p0 [hbm:s6], $0xA00  }
0x8: {  	s6 =	simm.s32 @!p0 $0x1  }
0x9: {  	_ =	swait.ge @!p0 [sflag:s6], $0xA00  }
0xa: {  	[sflag:s6] =	ssyncset.done @!p0 $0x0  }
0xb: {  	s10 =	simm.s32 $0x80;
	[sflag:s6] =	ssyncadd.s32 @!p0 $0xFFFFF600  }
0xc: {  	s30 =	simm.s32 $0x1;
	s9 =	sadd.s32 $0x3A00, s1;
	[bflag:$0x0] =	sbarrier.arrive $0xFFFF  }
0xd: {  	[tilespmem:s10], [sflag:$0x1] =	stream.linear.gather [hbm4b:s9+s4], $0x2000, $0x38;
	[tilespmem:$0x2580] =	vst v63  }
0xe: {  	_ =	swait.ge [sflag:s30], $0x2000  }
0xf: {  	s5 =	sshll.u32 s5, $0x3;
	[sflag:s30] =	ssyncset.done $0x0  }
0x10: {  	s0 =	sadd.s32 s0, s5;
	[sflag:s30] =	ssyncadd.s32 $0xFFFFE000  }
0x11: {  	[tilespmem:s4], [sflag:$0x1] =	stream.linear.gather [hbm4b:s0+s4], $0x40, $0x38;
	[tilespmem:$0x2580] =	vst v63  }
0x12: {  	_ =	swait.ge [sflag:s30], $0x40  }
0x13: {  	[sflag:s30] =	ssyncset.done $0x0  }
0x14: {  	s31 =	simm.s32 $0x40;
	[sflag:s30] =	ssyncadd.s32 $0xFFFFFFC0  }
0x15: {  	[spmem:s2] =	stream.indirect.scatter.add.f32 [tilespmem:s10], [sflag:$0x1], $0x80, s4, s31, $0xb8;
	[tilespmem:$0x2580] =	vst v63  }
0x16: {  	_ =	swait.ge [sflag:s30], $0x2000  }
0x17: {  	[sflag:s30] =	ssyncset.done $0x0  }
0x18: {  	[sflag:s30] =	ssyncadd.s32 $0xFFFFE000  }
0x19: {  	[bflag:$0x0] =	sbarrier.arrive $0xFFFF  }
0x1a: {  	_ =	sfence.sel @p0 $0x180000  }
0x1b: {  	[bflag:$0x0] =	sbarrier.arrive @p0 $0xFFFF  }
0x1c: {  	_ =	strace @p0 $0x90000047  }
0x1d: {  	s0 =	sadd.s32 $0x3E00, s1;
	[bflag:$0x2] =	sbarrier.arrive @p0 $0xFFFF  }
0x1e: {  	[hbm:s0], [sflag:s8] =	dma.local @!p0 [spmem:s7], $0xA00  }
0x1f: {  	_ =	swait.ge @!p0 [sflag:s6], $0xA00  }
0x20: {  	[sflag:s6] =	ssyncset.done @!p0 $0x0  }
0x21: {  	[sflag:s6] =	ssyncadd.s32 @!p0 $0xFFFFF600  }
0x22: {  	_ =	sfence.sel @!p0 $0x180000  }
0x23: {  	[bflag:$0x0] =	sbarrier.arrive @!p0 $0xFFFF  }
0x24: {  	_ =	strace @!p0 $0x90000047  }
0x25: {  	s0 =	sadd.s32 @!p0 $0x100000, s3;
	[bflag:$0x2] =	sbarrier.arrive @!p0 $0xFFFF  }
0x26: {  	[sflag:s0] =	ssyncadd.tile.s32 @!p0 $0x1;
	_ =	shalt  }
.Lfunc_end2:
_tile_overlayer_lowered:
.L_overlay_start_2:
0x27: {  	(tag) =	ssettag $0x2  }
0x28: {  	s0 =	rddreg [dreg:$0x0];
	s2 =	stileid.u32  }
0x29: {  	s1 =	rddreg [dreg:$0x1];
	p0 =	sne.s32 s2, $0x0  }
0x2a: {  	s3 =	rddreg [dreg:$0x2];
	[bflag:$0x3] =	sbarrier.arrive $0xFFFF;
	s2 =	simm.s32 @!p0 $0x1C01  }
0x2b: {  	[timem:s3], [sflag:s2] =	dma.local @!p0 [hbm:s0], s1  }
0x2c: {  	s0 =	simm.s32 @!p0 $0x1  }
0x2d: {  	_ =	swait.ge @!p0 [sflag:s0], s1  }
0x2e: {  	s1 =	ssub.s32 @!p0 $0x0, s1;
	[sflag:s0] =	ssyncset.done @!p0 $0x0  }
0x2f: {  	[sflag:s0] =	ssyncadd.s32 @!p0 s1  }
0x30: {  	[bflag:$0x3] =	sbarrier.arrive $0xFFFF  }
0x31: {  	_ =	shalt  }

</sc_bundles>
